<compile_context>
chip_gen: v7x
topology: tpu7x:2x2x1
jax: 0.10.2.dev20260603
libtpu: 0.0.44.dev20260713+nightly
codegen_flags: <defaults>
</compile_context>

<pallas_src>
import functools

import jax
import jax.numpy as jnp
from jax import lax
from jax.experimental import pallas as pl
from jax.experimental.pallas import tpu as pltpu
from jax.experimental.pallas import tpu_sc as plsc


_ROWS, _COLS = 16384, 128
_NW = 32
_RPW = _ROWS // _NW
_NCH = 4
_CH = _RPW // _NCH


def _sc_copy(x_hbm, o_hbm, bufs, sem_in, sem_out):
    nc = lax.axis_size("c")
    wid = lax.axis_index("s") * nc + lax.axis_index("c")
    base = wid * _RPW

    ins = []
    for i in range(_NCH):
        cp = pltpu.make_async_copy(
            x_hbm.at[pl.ds(base + i * _CH, _CH), :],
            bufs.at[i], sem_in.at[i])
        cp.start()
        ins.append(cp)

    outs = []
    for i in range(_NCH):
        ins[i].wait()
        if i == 0:
            @pl.when(wid == 0)
            def _():
                lane = lax.iota(jnp.int32, 16)
                head = bufs[0, 0, pl.ds(0, 16)]
                bufs[0, 0, pl.ds(0, 16)] = jnp.where(
                    lane == 0, jnp.float32(3.0), head)
        cp = pltpu.make_async_copy(
            bufs.at[i], o_hbm.at[pl.ds(base + i * _CH, _CH), :],
            sem_out.at[i])
        cp.start()
        outs.append(cp)

    for cp in outs:
        cp.wait()


def kernel(x):
    mesh = plsc.VectorSubcoreMesh(core_axis_name="c", subcore_axis_name="s")
    run = functools.partial(
        pl.kernel,
        mesh=mesh,
        out_type=jax.ShapeDtypeStruct((_ROWS, _COLS), jnp.float32),
        scratch_types=[
            pltpu.VMEM((_NCH, _CH, _COLS), jnp.float32),
            pltpu.SemaphoreType.DMA((_NCH,)),
            pltpu.SemaphoreType.DMA((_NCH,)),
        ],
    )(_sc_copy)
    return run(x)

# --- scband reference (transcript-rebuilt; emitter-appended) ---
"""Pipeline reference for scband-bad2-2370821947700 (READ-ONLY COPY).

The authoritative reference and input builder live on the scoring server;
editing this copy changes nothing except your own understanding.
"""

import jax, jax.numpy as jnp
import numpy as np

def setup_inputs(seed: int = 0) -> dict:
    key = jax.random.key(seed)
    x = jax.random.normal(key, (16384, 128), dtype=jnp.float32)
    return {"x": x}

def reference(x):
    # Faithful translation of: x.data[0, 0] = 3; return x
    # In-place scalar overwrite at position (0, 0) -> scatter-overwrite via .at[].set
    out = x.at[0, 0].set(3.0)
    return out

if __name__ == "__main__":
    import jax
    _d = setup_inputs()
    print(jax.jit(kernel)(*tuple(_d.values())))

</pallas_src>

<mosaic_0001>
#map = affine_map<(d0, d1) -> (0, 0)>
module attributes {stable_mosaic.version = 14 : i64} {
  func.func @_sc_copy(%arg0: i32, %arg1: i32, %arg2: memref<16384x128xf32, #tpu.memory_space<hbm>>, %arg3: memref<16384x128xf32, #tpu.memory_space<hbm>>, %arg4: memref<4x128x128xf32, #tpu.memory_space<vmem>>, %arg5: memref<4x!tpu.dma_semaphore, #tpu.memory_space<semaphore_mem>>, %arg6: memref<4x!tpu.dma_semaphore, #tpu.memory_space<semaphore_mem>>) attributes {dimension_semantics = [#tpu.dimension_semantics<core_parallel>, #tpu.dimension_semantics<subcore_parallel>], iteration_bounds = array<i64: 2, 16>, scalar_prefetch = 0 : i64, scratch_operands = 3 : i64, tpu.core_type = #tpu.core_type<sc_vector_subcore>, window_params = [{transform_indices = #map}, {transform_indices = #map}]} {
    %mul3A = arith.constant 2 : i32
    %mul3A_0 = arith.muli %arg1, %mul3A : i32
    %add3A = arith.addi %mul3A_0, %arg0 : i32
    %mul3A_1 = arith.constant 512 : i32
    %mul3A_2 = arith.muli %add3A, %mul3A_1 : i32
    %add3A_3 = arith.constant 0 : i32
    %add3A_4 = arith.addi %mul3A_2, %add3A_3 : i32
    %dma_start3A = arith.constant 0 : i32
    %dma_start3A_5 = arith.constant 0 : i32
    %dma_start3A_6 = arith.constant 0 : i32
    %dma_start3A_7 = arith.constant 0 : i32
    %dma_start3A_8 = tpu.memref_slice %arg4[%dma_start3A, %dma_start3A_6, %dma_start3A_7] : memref<4x128x128xf32, #tpu.memory_space<vmem>> -> memref<1x128x128xf32, #tpu.memory_space<vmem>>
    %dma_start3A_9 = tpu.memref_squeeze %dma_start3A_8 : memref<1x128x128xf32, #tpu.memory_space<vmem>> -> memref<128x128xf32, #tpu.memory_space<vmem>>
    %dma_start3A_10 = arith.constant 0 : i32
    %dma_start3A_11 = tpu.memref_slice %arg2[%add3A_4, %dma_start3A_10] : memref<16384x128xf32, #tpu.memory_space<hbm>> -> memref<128x128xf32, #tpu.memory_space<hbm>>
    %dma_start3A_12 = tpu.memref_slice %arg5[%dma_start3A_5] : memref<4x!tpu.dma_semaphore, #tpu.memory_space<semaphore_mem>> -> memref<1x!tpu.dma_semaphore, #tpu.memory_space<semaphore_mem>>
    %dma_start3A_13 = tpu.memref_squeeze %dma_start3A_12 : memref<1x!tpu.dma_semaphore, #tpu.memory_space<semaphore_mem>> -> memref<!tpu.dma_semaphore, #tpu.memory_space<semaphore_mem>>
    %dma_start3A_14 = arith.constant 0 : i32
    %dma_start3A_15 = arith.constant 0 : i32
    %dma_start3A_16 = tpu.memref_slice %arg4[%dma_start3A, %dma_start3A_14, %dma_start3A_15] : memref<4x128x128xf32, #tpu.memory_space<vmem>> -> memref<1x128x128xf32, #tpu.memory_space<vmem>>
    %dma_start3A_17 = tpu.memref_squeeze %dma_start3A_16 : memref<1x128x128xf32, #tpu.memory_space<vmem>> -> memref<128x128xf32, #tpu.memory_space<vmem>>
    %dma_start3A_18 = arith.constant 0 : i32
    %dma_start3A_19 = tpu.memref_slice %arg2[%add3A_4, %dma_start3A_18] : memref<16384x128xf32, #tpu.memory_space<hbm>> -> memref<128x128xf32, #tpu.memory_space<hbm>>
    tpu.enqueue_dma source(%dma_start3A_19 : memref<128x128xf32, #tpu.memory_space<hbm>>) target(%dma_start3A_17 : memref<128x128xf32, #tpu.memory_space<vmem>>) target_semaphore(%dma_start3A_13 : memref<!tpu.dma_semaphore, #tpu.memory_space<semaphore_mem>>)
    %add3A_20 = arith.constant 128 : i32
    %add3A_21 = arith.addi %mul3A_2, %add3A_20 : i32
    %dma_start3A_22 = arith.constant 1 : i32
    %dma_start3A_23 = arith.constant 1 : i32
    %dma_start3A_24 = arith.constant 0 : i32
    %dma_start3A_25 = arith.constant 0 : i32
    %dma_start3A_26 = tpu.memref_slice %arg4[%dma_start3A_22, %dma_start3A_24, %dma_start3A_25] : memref<4x128x128xf32, #tpu.memory_space<vmem>> -> memref<1x128x128xf32, #tpu.memory_space<vmem>>
    %dma_start3A_27 = tpu.memref_squeeze %dma_start3A_26 : memref<1x128x128xf32, #tpu.memory_space<vmem>> -> memref<128x128xf32, #tpu.memory_space<vmem>>
    %dma_start3A_28 = arith.constant 0 : i32
    %dma_start3A_29 = tpu.memref_slice %arg2[%add3A_21, %dma_start3A_28] : memref<16384x128xf32, #tpu.memory_space<hbm>> -> memref<128x128xf32, #tpu.memory_space<hbm>>
    %dma_start3A_30 = tpu.memref_slice %arg5[%dma_start3A_23] : memref<4x!tpu.dma_semaphore, #tpu.memory_space<semaphore_mem>> -> memref<1x!tpu.dma_semaphore, #tpu.memory_space<semaphore_mem>>
    %dma_start3A_31 = tpu.memref_squeeze %dma_start3A_30 : memref<1x!tpu.dma_semaphore, #tpu.memory_space<semaphore_mem>> -> memref<!tpu.dma_semaphore, #tpu.memory_space<semaphore_mem>>
    %dma_start3A_32 = arith.constant 0 : i32
    %dma_start3A_33 = arith.constant 0 : i32
    %dma_start3A_34 = tpu.memref_slice %arg4[%dma_start3A_22, %dma_start3A_32, %dma_start3A_33] : memref<4x128x128xf32, #tpu.memory_space<vmem>> -> memref<1x128x128xf32, #tpu.memory_space<vmem>>
    %dma_start3A_35 = tpu.memref_squeeze %dma_start3A_34 : memref<1x128x128xf32, #tpu.memory_space<vmem>> -> memref<128x128xf32, #tpu.memory_space<vmem>>
    %dma_start3A_36 = arith.constant 0 : i32
    %dma_start3A_37 = tpu.memref_slice %arg2[%add3A_21, %dma_start3A_36] : memref<16384x128xf32, #tpu.memory_space<hbm>> -> memref<128x128xf32, #tpu.memory_space<hbm>>
    tpu.enqueue_dma source(%dma_start3A_37 : memref<128x128xf32, #tpu.memory_space<hbm>>) target(%dma_start3A_35 : memref<128x128xf32, #tpu.memory_space<vmem>>) target_semaphore(%dma_start3A_31 : memref<!tpu.dma_semaphore, #tpu.memory_space<semaphore_mem>>)
    %add3A_38 = arith.constant 256 : i32
    %add3A_39 = arith.addi %mul3A_2, %add3A_38 : i32
    %dma_start3A_40 = arith.constant 2 : i32
    %dma_start3A_41 = arith.constant 2 : i32
    %dma_start3A_42 = arith.constant 0 : i32
    %dma_start3A_43 = arith.constant 0 : i32
    %dma_start3A_44 = tpu.memref_slice %arg4[%dma_start3A_40, %dma_start3A_42, %dma_start3A_43] : memref<4x128x128xf32, #tpu.memory_space<vmem>> -> memref<1x128x128xf32, #tpu.memory_space<vmem>>
    %dma_start3A_45 = tpu.memref_squeeze %dma_start3A_44 : memref<1x128x128xf32, #tpu.memory_space<vmem>> -> memref<128x128xf32, #tpu.memory_space<vmem>>
    %dma_start3A_46 = arith.constant 0 : i32
    %dma_start3A_47 = tpu.memref_slice %arg2[%add3A_39, %dma_start3A_46] : memref<16384x128xf32, #tpu.memory_space<hbm>> -> memref<128x128xf32, #tpu.memory_space<hbm>>
    %dma_start3A_48 = tpu.memref_slice %arg5[%dma_start3A_41] : memref<4x!tpu.dma_semaphore, #tpu.memory_space<semaphore_mem>> -> memref<1x!tpu.dma_semaphore, #tpu.memory_space<semaphore_mem>>
    %dma_start3A_49 = tpu.memref_squeeze %dma_start3A_48 : memref<1x!tpu.dma_semaphore, #tpu.memory_space<semaphore_mem>> -> memref<!tpu.dma_semaphore, #tpu.memory_space<semaphore_mem>>
    %dma_start3A_50 = arith.constant 0 : i32
    %dma_start3A_51 = arith.constant 0 : i32
    %dma_start3A_52 = tpu.memref_slice %arg4[%dma_start3A_40, %dma_start3A_50, %dma_start3A_51] : memref<4x128x128xf32, #tpu.memory_space<vmem>> -> memref<1x128x128xf32, #tpu.memory_space<vmem>>
    %dma_start3A_53 = tpu.memref_squeeze %dma_start3A_52 : memref<1x128x128xf32, #tpu.memory_space<vmem>> -> memref<128x128xf32, #tpu.memory_space<vmem>>
    %dma_start3A_54 = arith.constant 0 : i32
    %dma_start3A_55 = tpu.memref_slice %arg2[%add3A_39, %dma_start3A_54] : memref<16384x128xf32, #tpu.memory_space<hbm>> -> memref<128x128xf32, #tpu.memory_space<hbm>>
    tpu.enqueue_dma source(%dma_start3A_55 : memref<128x128xf32, #tpu.memory_space<hbm>>) target(%dma_start3A_53 : memref<128x128xf32, #tpu.memory_space<vmem>>) target_semaphore(%dma_start3A_49 : memref<!tpu.dma_semaphore, #tpu.memory_space<semaphore_mem>>)
    %add3A_56 = arith.constant 384 : i32
    %add3A_57 = arith.addi %mul3A_2, %add3A_56 : i32
    %dma_start3A_58 = arith.constant 3 : i32
    %dma_start3A_59 = arith.constant 3 : i32
    %dma_start3A_60 = arith.constant 0 : i32
    %dma_start3A_61 = arith.constant 0 : i32
    %dma_start3A_62 = tpu.memref_slice %arg4[%dma_start3A_58, %dma_start3A_60, %dma_start3A_61] : memref<4x128x128xf32, #tpu.memory_space<vmem>> -> memref<1x128x128xf32, #tpu.memory_space<vmem>>
    %dma_start3A_63 = tpu.memref_squeeze %dma_start3A_62 : memref<1x128x128xf32, #tpu.memory_space<vmem>> -> memref<128x128xf32, #tpu.memory_space<vmem>>
    %dma_start3A_64 = arith.constant 0 : i32
    %dma_start3A_65 = tpu.memref_slice %arg2[%add3A_57, %dma_start3A_64] : memref<16384x128xf32, #tpu.memory_space<hbm>> -> memref<128x128xf32, #tpu.memory_space<hbm>>
    %dma_start3A_66 = tpu.memref_slice %arg5[%dma_start3A_59] : memref<4x!tpu.dma_semaphore, #tpu.memory_space<semaphore_mem>> -> memref<1x!tpu.dma_semaphore, #tpu.memory_space<semaphore_mem>>
    %dma_start3A_67 = tpu.memref_squeeze %dma_start3A_66 : memref<1x!tpu.dma_semaphore, #tpu.memory_space<semaphore_mem>> -> memref<!tpu.dma_semaphore, #tpu.memory_space<semaphore_mem>>
    %dma_start3A_68 = arith.constant 0 : i32
    %dma_start3A_69 = arith.constant 0 : i32
    %dma_start3A_70 = tpu.memref_slice %arg4[%dma_start3A_58, %dma_start3A_68, %dma_start3A_69] : memref<4x128x128xf32, #tpu.memory_space<vmem>> -> memref<1x128x128xf32, #tpu.memory_space<vmem>>
    %dma_start3A_71 = tpu.memref_squeeze %dma_start3A_70 : memref<1x128x128xf32, #tpu.memory_space<vmem>> -> memref<128x128xf32, #tpu.memory_space<vmem>>
    %dma_start3A_72 = arith.constant 0 : i32
    %dma_start3A_73 = tpu.memref_slice %arg2[%add3A_57, %dma_start3A_72] : memref<16384x128xf32, #tpu.memory_space<hbm>> -> memref<128x128xf32, #tpu.memory_space<hbm>>
    tpu.enqueue_dma source(%dma_start3A_73 : memref<128x128xf32, #tpu.memory_space<hbm>>) target(%dma_start3A_71 : memref<128x128xf32, #tpu.memory_space<vmem>>) target_semaphore(%dma_start3A_67 : memref<!tpu.dma_semaphore, #tpu.memory_space<semaphore_mem>>)
    %dma_wait3A = arith.constant 0 : i32
    %dma_wait3A_74 = arith.constant 0 : i32
    %dma_wait3A_75 = arith.constant 0 : i32
    %dma_wait3A_76 = arith.constant 0 : i32
    %dma_wait3A_77 = tpu.memref_slice %arg4[%dma_wait3A, %dma_wait3A_75, %dma_wait3A_76] : memref<4x128x128xf32, #tpu.memory_space<vmem>> -> memref<1x128x128xf32, #tpu.memory_space<vmem>>
    %dma_wait3A_78 = tpu.memref_squeeze %dma_wait3A_77 : memref<1x128x128xf32, #tpu.memory_space<vmem>> -> memref<128x128xf32, #tpu.memory_space<vmem>>
    %dma_wait3A_79 = arith.constant 0 : i32
    %dma_wait3A_80 = tpu.memref_slice %arg2[%add3A_4, %dma_wait3A_79] : memref<16384x128xf32, #tpu.memory_space<hbm>> -> memref<128x128xf32, #tpu.memory_space<hbm>>
    %dma_wait3A_81 = tpu.memref_slice %arg5[%dma_wait3A_74] : memref<4x!tpu.dma_semaphore, #tpu.memory_space<semaphore_mem>> -> memref<1x!tpu.dma_semaphore, #tpu.memory_space<semaphore_mem>>
    %dma_wait3A_82 = tpu.memref_squeeze %dma_wait3A_81 : memref<1x!tpu.dma_semaphore, #tpu.memory_space<semaphore_mem>> -> memref<!tpu.dma_semaphore, #tpu.memory_space<semaphore_mem>>
    %dma_wait3A_83 = arith.constant 0 : i32
    %dma_wait3A_84 = arith.constant 0 : i32
    %dma_wait3A_85 = tpu.memref_slice %arg4[%dma_wait3A, %dma_wait3A_83, %dma_wait3A_84] : memref<4x128x128xf32, #tpu.memory_space<vmem>> -> memref<1x128x128xf32, #tpu.memory_space<vmem>>
    %dma_wait3A_86 = tpu.memref_squeeze %dma_wait3A_85 : memref<1x128x128xf32, #tpu.memory_space<vmem>> -> memref<128x128xf32, #tpu.memory_space<vmem>>
    %dma_wait3A_87 = arith.constant 0 : i32
    %dma_wait3A_88 = tpu.memref_slice %arg2[%add3A_4, %dma_wait3A_87] : memref<16384x128xf32, #tpu.memory_space<hbm>> -> memref<128x128xf32, #tpu.memory_space<hbm>>
    tpu.wait_dma2 semaphore(%dma_wait3A_82 : memref<!tpu.dma_semaphore, #tpu.memory_space<semaphore_mem>>) src(%dma_wait3A_88 : memref<128x128xf32, #tpu.memory_space<hbm>>) dst(%dma_wait3A_86 : memref<128x128xf32, #tpu.memory_space<vmem>>)
    %eq3A = arith.constant 0 : i32
    %eq3A_89 = arith.cmpi eq, %add3A, %eq3A : i32
    %convert_element_type3A = arith.extui %eq3A_89 : i1 to i32
    %cond3A = arith.constant 0 : i32
    %cond3A_90 = arith.cmpi ne, %convert_element_type3A, %cond3A : i32
    scf.if %cond3A_90 {
      %iota3A = tpu.iota {dimensions = array<i32: 0>} : vector<16xi32>
      %get3A = arith.constant 0 : i32
      %get3A_275 = arith.constant 0 : i32
      %get3A_276 = arith.index_cast %get3A : i32 to index
      %get3A_277 = arith.index_cast %get3A_275 : i32 to index
      %get3A_278 = arith.constant 0 : index
      %get3A_279 = tpu.vector_load %arg4[%get3A_276, %get3A_277, %get3A_278] {strides = array<i32>} : memref<4x128x128xf32, #tpu.memory_space<vmem>>, vector<1x1x16xf32>,
      %get3A_280 = vector.shape_cast %get3A_279 : vector<1x1x16xf32> to vector<16xf32>
      %eq3A_281 = arith.constant 0 : i32
      %eq3A_282 = vector.broadcast %eq3A_281 : i32 to vector<16xi32>
      %eq3A_283 = arith.cmpi eq, %iota3A, %eq3A_282 : vector<16xi32>
      %jit3A = arith.constant 3.000000e+00 : f32
      %broadcast_in_dim3A = vector.broadcast %jit3A : f32 to vector<16xf32>
      %select_n3A = arith.select %eq3A_283, %broadcast_in_dim3A, %get3A_280 : vector<16xi1>, vector<16xf32>
      %swap3A = arith.constant 0 : i32
      %swap3A_284 = arith.constant 0 : i32
      %swap3A_285 = arith.index_cast %swap3A : i32 to index
      %swap3A_286 = arith.index_cast %swap3A_284 : i32 to index
      %swap3A_287 = arith.constant 0 : index
      %swap3A_288 = tpu.vector_load %arg4[%swap3A_285, %swap3A_286, %swap3A_287] {strides = array<i32>} : memref<4x128x128xf32, #tpu.memory_space<vmem>>, vector<1x1x16xf32>,
      %swap3A_289 = vector.shape_cast %swap3A_288 : vector<1x1x16xf32> to vector<16xf32>
      %swap3A_290 = vector.shape_cast %select_n3A : vector<16xf32> to vector<1x1x16xf32>
      tpu.vector_store %arg4[%swap3A_285, %swap3A_286, %swap3A_287], %swap3A_290 {strides = array<i32>} : memref<4x128x128xf32, #tpu.memory_space<vmem>>, vector<1x1x16xf32>,
    } else {
    }
    %add3A_91 = arith.constant 0 : i32
    %add3A_92 = arith.addi %mul3A_2, %add3A_91 : i32
    %dma_start3A_93 = arith.constant 0 : i32
    %dma_start3A_94 = arith.constant 0 : i32
    %dma_start3A_95 = arith.constant 0 : i32
    %dma_start3A_96 = arith.constant 0 : i32
    %dma_start3A_97 = tpu.memref_slice %arg4[%dma_start3A_93, %dma_start3A_95, %dma_start3A_96] : memref<4x128x128xf32, #tpu.memory_space<vmem>> -> memref<1x128x128xf32, #tpu.memory_space<vmem>>
    %dma_start3A_98 = tpu.memref_squeeze %dma_start3A_97 : memref<1x128x128xf32, #tpu.memory_space<vmem>> -> memref<128x128xf32, #tpu.memory_space<vmem>>
    %dma_start3A_99 = arith.constant 0 : i32
    %dma_start3A_100 = tpu.memref_slice %arg3[%add3A_92, %dma_start3A_99] : memref<16384x128xf32, #tpu.memory_space<hbm>> -> memref<128x128xf32, #tpu.memory_space<hbm>>
    %dma_start3A_101 = tpu.memref_slice %arg6[%dma_start3A_94] : memref<4x!tpu.dma_semaphore, #tpu.memory_space<semaphore_mem>> -> memref<1x!tpu.dma_semaphore, #tpu.memory_space<semaphore_mem>>
    %dma_start3A_102 = tpu.memref_squeeze %dma_start3A_101 : memref<1x!tpu.dma_semaphore, #tpu.memory_space<semaphore_mem>> -> memref<!tpu.dma_semaphore, #tpu.memory_space<semaphore_mem>>
    %dma_start3A_103 = arith.constant 0 : i32
    %dma_start3A_104 = tpu.memref_slice %arg3[%add3A_92, %dma_start3A_103] : memref<16384x128xf32, #tpu.memory_space<hbm>> -> memref<128x128xf32, #tpu.memory_space<hbm>>
    %dma_start3A_105 = arith.constant 0 : i32
    %dma_start3A_106 = arith.constant 0 : i32
    %dma_start3A_107 = tpu.memref_slice %arg4[%dma_start3A_93, %dma_start3A_105, %dma_start3A_106] : memref<4x128x128xf32, #tpu.memory_space<vmem>> -> memref<1x128x128xf32, #tpu.memory_space<vmem>>
    %dma_start3A_108 = tpu.memref_squeeze %dma_start3A_107 : memref<1x128x128xf32, #tpu.memory_space<vmem>> -> memref<128x128xf32, #tpu.memory_space<vmem>>
    tpu.enqueue_dma source(%dma_start3A_108 : memref<128x128xf32, #tpu.memory_space<vmem>>) target(%dma_start3A_104 : memref<128x128xf32, #tpu.memory_space<hbm>>) target_semaphore(%dma_start3A_102 : memref<!tpu.dma_semaphore, #tpu.memory_space<semaphore_mem>>)
    %dma_wait3A_109 = arith.constant 1 : i32
    %dma_wait3A_110 = arith.constant 1 : i32
    %dma_wait3A_111 = arith.constant 0 : i32
    %dma_wait3A_112 = arith.constant 0 : i32
    %dma_wait3A_113 = tpu.memref_slice %arg4[%dma_wait3A_109, %dma_wait3A_111, %dma_wait3A_112] : memref<4x128x128xf32, #tpu.memory_space<vmem>> -> memref<1x128x128xf32, #tpu.memory_space<vmem>>
    %dma_wait3A_114 = tpu.memref_squeeze %dma_wait3A_113 : memref<1x128x128xf32, #tpu.memory_space<vmem>> -> memref<128x128xf32, #tpu.memory_space<vmem>>
    %dma_wait3A_115 = arith.constant 0 : i32
    %dma_wait3A_116 = tpu.memref_slice %arg2[%add3A_21, %dma_wait3A_115] : memref<16384x128xf32, #tpu.memory_space<hbm>> -> memref<128x128xf32, #tpu.memory_space<hbm>>
    %dma_wait3A_117 = tpu.memref_slice %arg5[%dma_wait3A_110] : memref<4x!tpu.dma_semaphore, #tpu.memory_space<semaphore_mem>> -> memref<1x!tpu.dma_semaphore, #tpu.memory_space<semaphore_mem>>
    %dma_wait3A_118 = tpu.memref_squeeze %dma_wait3A_117 : memref<1x!tpu.dma_semaphore, #tpu.memory_space<semaphore_mem>> -> memref<!tpu.dma_semaphore, #tpu.memory_space<semaphore_mem>>
    %dma_wait3A_119 = arith.constant 0 : i32
    %dma_wait3A_120 = arith.constant 0 : i32
    %dma_wait3A_121 = tpu.memref_slice %arg4[%dma_wait3A_109, %dma_wait3A_119, %dma_wait3A_120] : memref<4x128x128xf32, #tpu.memory_space<vmem>> -> memref<1x128x128xf32, #tpu.memory_space<vmem>>
    %dma_wait3A_122 = tpu.memref_squeeze %dma_wait3A_121 : memref<1x128x128xf32, #tpu.memory_space<vmem>> -> memref<128x128xf32, #tpu.memory_space<vmem>>
    %dma_wait3A_123 = arith.constant 0 : i32
    %dma_wait3A_124 = tpu.memref_slice %arg2[%add3A_21, %dma_wait3A_123] : memref<16384x128xf32, #tpu.memory_space<hbm>> -> memref<128x128xf32, #tpu.memory_space<hbm>>
    tpu.wait_dma2 semaphore(%dma_wait3A_118 : memref<!tpu.dma_semaphore, #tpu.memory_space<semaphore_mem>>) src(%dma_wait3A_124 : memref<128x128xf32, #tpu.memory_space<hbm>>) dst(%dma_wait3A_122 : memref<128x128xf32, #tpu.memory_space<vmem>>)
    %add3A_125 = arith.constant 128 : i32
    %add3A_126 = arith.addi %mul3A_2, %add3A_125 : i32
    %dma_start3A_127 = arith.constant 1 : i32
    %dma_start3A_128 = arith.constant 1 : i32
    %dma_start3A_129 = arith.constant 0 : i32
    %dma_start3A_130 = arith.constant 0 : i32
    %dma_start3A_131 = tpu.memref_slice %arg4[%dma_start3A_127, %dma_start3A_129, %dma_start3A_130] : memref<4x128x128xf32, #tpu.memory_space<vmem>> -> memref<1x128x128xf32, #tpu.memory_space<vmem>>
    %dma_start3A_132 = tpu.memref_squeeze %dma_start3A_131 : memref<1x128x128xf32, #tpu.memory_space<vmem>> -> memref<128x128xf32, #tpu.memory_space<vmem>>
    %dma_start3A_133 = arith.constant 0 : i32
    %dma_start3A_134 = tpu.memref_slice %arg3[%add3A_126, %dma_start3A_133] : memref<16384x128xf32, #tpu.memory_space<hbm>> -> memref<128x128xf32, #tpu.memory_space<hbm>>
    %dma_start3A_135 = tpu.memref_slice %arg6[%dma_start3A_128] : memref<4x!tpu.dma_semaphore, #tpu.memory_space<semaphore_mem>> -> memref<1x!tpu.dma_semaphore, #tpu.memory_space<semaphore_mem>>
    %dma_start3A_136 = tpu.memref_squeeze %dma_start3A_135 : memref<1x!tpu.dma_semaphore, #tpu.memory_space<semaphore_mem>> -> memref<!tpu.dma_semaphore, #tpu.memory_space<semaphore_mem>>
    %dma_start3A_137 = arith.constant 0 : i32
    %dma_start3A_138 = tpu.memref_slice %arg3[%add3A_126, %dma_start3A_137] : memref<16384x128xf32, #tpu.memory_space<hbm>> -> memref<128x128xf32, #tpu.memory_space<hbm>>
    %dma_start3A_139 = arith.constant 0 : i32
    %dma_start3A_140 = arith.constant 0 : i32
    %dma_start3A_141 = tpu.memref_slice %arg4[%dma_start3A_127, %dma_start3A_139, %dma_start3A_140] : memref<4x128x128xf32, #tpu.memory_space<vmem>> -> memref<1x128x128xf32, #tpu.memory_space<vmem>>
    %dma_start3A_142 = tpu.memref_squeeze %dma_start3A_141 : memref<1x128x128xf32, #tpu.memory_space<vmem>> -> memref<128x128xf32, #tpu.memory_space<vmem>>
    tpu.enqueue_dma source(%dma_start3A_142 : memref<128x128xf32, #tpu.memory_space<vmem>>) target(%dma_start3A_138 : memref<128x128xf32, #tpu.memory_space<hbm>>) target_semaphore(%dma_start3A_136 : memref<!tpu.dma_semaphore, #tpu.memory_space<semaphore_mem>>)
    %dma_wait3A_143 = arith.constant 2 : i32
    %dma_wait3A_144 = arith.constant 2 : i32
    %dma_wait3A_145 = arith.constant 0 : i32
    %dma_wait3A_146 = arith.constant 0 : i32
    %dma_wait3A_147 = tpu.memref_slice %arg4[%dma_wait3A_143, %dma_wait3A_145, %dma_wait3A_146] : memref<4x128x128xf32, #tpu.memory_space<vmem>> -> memref<1x128x128xf32, #tpu.memory_space<vmem>>
    %dma_wait3A_148 = tpu.memref_squeeze %dma_wait3A_147 : memref<1x128x128xf32, #tpu.memory_space<vmem>> -> memref<128x128xf32, #tpu.memory_space<vmem>>
    %dma_wait3A_149 = arith.constant 0 : i32
    %dma_wait3A_150 = tpu.memref_slice %arg2[%add3A_39, %dma_wait3A_149] : memref<16384x128xf32, #tpu.memory_space<hbm>> -> memref<128x128xf32, #tpu.memory_space<hbm>>
    %dma_wait3A_151 = tpu.memref_slice %arg5[%dma_wait3A_144] : memref<4x!tpu.dma_semaphore, #tpu.memory_space<semaphore_mem>> -> memref<1x!tpu.dma_semaphore, #tpu.memory_space<semaphore_mem>>
    %dma_wait3A_152 = tpu.memref_squeeze %dma_wait3A_151 : memref<1x!tpu.dma_semaphore, #tpu.memory_space<semaphore_mem>> -> memref<!tpu.dma_semaphore, #tpu.memory_space<semaphore_mem>>
    %dma_wait3A_153 = arith.constant 0 : i32
    %dma_wait3A_154 = arith.constant 0 : i32
    %dma_wait3A_155 = tpu.memref_slice %arg4[%dma_wait3A_143, %dma_wait3A_153, %dma_wait3A_154] : memref<4x128x128xf32, #tpu.memory_space<vmem>> -> memref<1x128x128xf32, #tpu.memory_space<vmem>>
    %dma_wait3A_156 = tpu.memref_squeeze %dma_wait3A_155 : memref<1x128x128xf32, #tpu.memory_space<vmem>> -> memref<128x128xf32, #tpu.memory_space<vmem>>
    %dma_wait3A_157 = arith.constant 0 : i32
    %dma_wait3A_158 = tpu.memref_slice %arg2[%add3A_39, %dma_wait3A_157] : memref<16384x128xf32, #tpu.memory_space<hbm>> -> memref<128x128xf32, #tpu.memory_space<hbm>>
    tpu.wait_dma2 semaphore(%dma_wait3A_152 : memref<!tpu.dma_semaphore, #tpu.memory_space<semaphore_mem>>) src(%dma_wait3A_158 : memref<128x128xf32, #tpu.memory_space<hbm>>) dst(%dma_wait3A_156 : memref<128x128xf32, #tpu.memory_space<vmem>>)
    %add3A_159 = arith.constant 256 : i32
    %add3A_160 = arith.addi %mul3A_2, %add3A_159 : i32
    %dma_start3A_161 = arith.constant 2 : i32
    %dma_start3A_162 = arith.constant 2 : i32
    %dma_start3A_163 = arith.constant 0 : i32
    %dma_start3A_164 = arith.constant 0 : i32
    %dma_start3A_165 = tpu.memref_slice %arg4[%dma_start3A_161, %dma_start3A_163, %dma_start3A_164] : memref<4x128x128xf32, #tpu.memory_space<vmem>> -> memref<1x128x128xf32, #tpu.memory_space<vmem>>
    %dma_start3A_166 = tpu.memref_squeeze %dma_start3A_165 : memref<1x128x128xf32, #tpu.memory_space<vmem>> -> memref<128x128xf32, #tpu.memory_space<vmem>>
    %dma_start3A_167 = arith.constant 0 : i32
    %dma_start3A_168 = tpu.memref_slice %arg3[%add3A_160, %dma_start3A_167] : memref<16384x128xf32, #tpu.memory_space<hbm>> -> memref<128x128xf32, #tpu.memory_space<hbm>>
    %dma_start3A_169 = tpu.memref_slice %arg6[%dma_start3A_162] : memref<4x!tpu.dma_semaphore, #tpu.memory_space<semaphore_mem>> -> memref<1x!tpu.dma_semaphore, #tpu.memory_space<semaphore_mem>>
    %dma_start3A_170 = tpu.memref_squeeze %dma_start3A_169 : memref<1x!tpu.dma_semaphore, #tpu.memory_space<semaphore_mem>> -> memref<!tpu.dma_semaphore, #tpu.memory_space<semaphore_mem>>
    %dma_start3A_171 = arith.constant 0 : i32
    %dma_start3A_172 = tpu.memref_slice %arg3[%add3A_160, %dma_start3A_171] : memref<16384x128xf32, #tpu.memory_space<hbm>> -> memref<128x128xf32, #tpu.memory_space<hbm>>
    %dma_start3A_173 = arith.constant 0 : i32
    %dma_start3A_174 = arith.constant 0 : i32
    %dma_start3A_175 = tpu.memref_slice %arg4[%dma_start3A_161, %dma_start3A_173, %dma_start3A_174] : memref<4x128x128xf32, #tpu.memory_space<vmem>> -> memref<1x128x128xf32, #tpu.memory_space<vmem>>
    %dma_start3A_176 = tpu.memref_squeeze %dma_start3A_175 : memref<1x128x128xf32, #tpu.memory_space<vmem>> -> memref<128x128xf32, #tpu.memory_space<vmem>>
    tpu.enqueue_dma source(%dma_start3A_176 : memref<128x128xf32, #tpu.memory_space<vmem>>) target(%dma_start3A_172 : memref<128x128xf32, #tpu.memory_space<hbm>>) target_semaphore(%dma_start3A_170 : memref<!tpu.dma_semaphore, #tpu.memory_space<semaphore_mem>>)
    %dma_wait3A_177 = arith.constant 3 : i32
    %dma_wait3A_178 = arith.constant 3 : i32
    %dma_wait3A_179 = arith.constant 0 : i32
    %dma_wait3A_180 = arith.constant 0 : i32
    %dma_wait3A_181 = tpu.memref_slice %arg4[%dma_wait3A_177, %dma_wait3A_179, %dma_wait3A_180] : memref<4x128x128xf32, #tpu.memory_space<vmem>> -> memref<1x128x128xf32, #tpu.memory_space<vmem>>
    %dma_wait3A_182 = tpu.memref_squeeze %dma_wait3A_181 : memref<1x128x128xf32, #tpu.memory_space<vmem>> -> memref<128x128xf32, #tpu.memory_space<vmem>>
    %dma_wait3A_183 = arith.constant 0 : i32
    %dma_wait3A_184 = tpu.memref_slice %arg2[%add3A_57, %dma_wait3A_183] : memref<16384x128xf32, #tpu.memory_space<hbm>> -> memref<128x128xf32, #tpu.memory_space<hbm>>
    %dma_wait3A_185 = tpu.memref_slice %arg5[%dma_wait3A_178] : memref<4x!tpu.dma_semaphore, #tpu.memory_space<semaphore_mem>> -> memref<1x!tpu.dma_semaphore, #tpu.memory_space<semaphore_mem>>
    %dma_wait3A_186 = tpu.memref_squeeze %dma_wait3A_185 : memref<1x!tpu.dma_semaphore, #tpu.memory_space<semaphore_mem>> -> memref<!tpu.dma_semaphore, #tpu.memory_space<semaphore_mem>>
    %dma_wait3A_187 = arith.constant 0 : i32
    %dma_wait3A_188 = arith.constant 0 : i32
    %dma_wait3A_189 = tpu.memref_slice %arg4[%dma_wait3A_177, %dma_wait3A_187, %dma_wait3A_188] : memref<4x128x128xf32, #tpu.memory_space<vmem>> -> memref<1x128x128xf32, #tpu.memory_space<vmem>>
    %dma_wait3A_190 = tpu.memref_squeeze %dma_wait3A_189 : memref<1x128x128xf32, #tpu.memory_space<vmem>> -> memref<128x128xf32, #tpu.memory_space<vmem>>
    %dma_wait3A_191 = arith.constant 0 : i32
    %dma_wait3A_192 = tpu.memref_slice %arg2[%add3A_57, %dma_wait3A_191] : memref<16384x128xf32, #tpu.memory_space<hbm>> -> memref<128x128xf32, #tpu.memory_space<hbm>>
    tpu.wait_dma2 semaphore(%dma_wait3A_186 : memref<!tpu.dma_semaphore, #tpu.memory_space<semaphore_mem>>) src(%dma_wait3A_192 : memref<128x128xf32, #tpu.memory_space<hbm>>) dst(%dma_wait3A_190 : memref<128x128xf32, #tpu.memory_space<vmem>>)
    %add3A_193 = arith.constant 384 : i32
    %add3A_194 = arith.addi %mul3A_2, %add3A_193 : i32
    %dma_start3A_195 = arith.constant 3 : i32
    %dma_start3A_196 = arith.constant 3 : i32
    %dma_start3A_197 = arith.constant 0 : i32
    %dma_start3A_198 = arith.constant 0 : i32
    %dma_start3A_199 = tpu.memref_slice %arg4[%dma_start3A_195, %dma_start3A_197, %dma_start3A_198] : memref<4x128x128xf32, #tpu.memory_space<vmem>> -> memref<1x128x128xf32, #tpu.memory_space<vmem>>
    %dma_start3A_200 = tpu.memref_squeeze %dma_start3A_199 : memref<1x128x128xf32, #tpu.memory_space<vmem>> -> memref<128x128xf32, #tpu.memory_space<vmem>>
    %dma_start3A_201 = arith.constant 0 : i32
    %dma_start3A_202 = tpu.memref_slice %arg3[%add3A_194, %dma_start3A_201] : memref<16384x128xf32, #tpu.memory_space<hbm>> -> memref<128x128xf32, #tpu.memory_space<hbm>>
    %dma_start3A_203 = tpu.memref_slice %arg6[%dma_start3A_196] : memref<4x!tpu.dma_semaphore, #tpu.memory_space<semaphore_mem>> -> memref<1x!tpu.dma_semaphore, #tpu.memory_space<semaphore_mem>>
    %dma_start3A_204 = tpu.memref_squeeze %dma_start3A_203 : memref<1x!tpu.dma_semaphore, #tpu.memory_space<semaphore_mem>> -> memref<!tpu.dma_semaphore, #tpu.memory_space<semaphore_mem>>
    %dma_start3A_205 = arith.constant 0 : i32
    %dma_start3A_206 = tpu.memref_slice %arg3[%add3A_194, %dma_start3A_205] : memref<16384x128xf32, #tpu.memory_space<hbm>> -> memref<128x128xf32, #tpu.memory_space<hbm>>
    %dma_start3A_207 = arith.constant 0 : i32
    %dma_start3A_208 = arith.constant 0 : i32
    %dma_start3A_209 = tpu.memref_slice %arg4[%dma_start3A_195, %dma_start3A_207, %dma_start3A_208] : memref<4x128x128xf32, #tpu.memory_space<vmem>> -> memref<1x128x128xf32, #tpu.memory_space<vmem>>
    %dma_start3A_210 = tpu.memref_squeeze %dma_start3A_209 : memref<1x128x128xf32, #tpu.memory_space<vmem>> -> memref<128x128xf32, #tpu.memory_space<vmem>>
    tpu.enqueue_dma source(%dma_start3A_210 : memref<128x128xf32, #tpu.memory_space<vmem>>) target(%dma_start3A_206 : memref<128x128xf32, #tpu.memory_space<hbm>>) target_semaphore(%dma_start3A_204 : memref<!tpu.dma_semaphore, #tpu.memory_space<semaphore_mem>>)
    %dma_wait3A_211 = arith.constant 0 : i32
    %dma_wait3A_212 = arith.constant 0 : i32
    %dma_wait3A_213 = arith.constant 0 : i32
    %dma_wait3A_214 = arith.constant 0 : i32
    %dma_wait3A_215 = tpu.memref_slice %arg4[%dma_wait3A_211, %dma_wait3A_213, %dma_wait3A_214] : memref<4x128x128xf32, #tpu.memory_space<vmem>> -> memref<1x128x128xf32, #tpu.memory_space<vmem>>
    %dma_wait3A_216 = tpu.memref_squeeze %dma_wait3A_215 : memref<1x128x128xf32, #tpu.memory_space<vmem>> -> memref<128x128xf32, #tpu.memory_space<vmem>>
    %dma_wait3A_217 = arith.constant 0 : i32
    %dma_wait3A_218 = tpu.memref_slice %arg3[%add3A_92, %dma_wait3A_217] : memref<16384x128xf32, #tpu.memory_space<hbm>> -> memref<128x128xf32, #tpu.memory_space<hbm>>
    %dma_wait3A_219 = tpu.memref_slice %arg6[%dma_wait3A_212] : memref<4x!tpu.dma_semaphore, #tpu.memory_space<semaphore_mem>> -> memref<1x!tpu.dma_semaphore, #tpu.memory_space<semaphore_mem>>
    %dma_wait3A_220 = tpu.memref_squeeze %dma_wait3A_219 : memref<1x!tpu.dma_semaphore, #tpu.memory_space<semaphore_mem>> -> memref<!tpu.dma_semaphore, #tpu.memory_space<semaphore_mem>>
    %dma_wait3A_221 = arith.constant 0 : i32
    %dma_wait3A_222 = tpu.memref_slice %arg3[%add3A_92, %dma_wait3A_221] : memref<16384x128xf32, #tpu.memory_space<hbm>> -> memref<128x128xf32, #tpu.memory_space<hbm>>
    %dma_wait3A_223 = arith.constant 0 : i32
    %dma_wait3A_224 = arith.constant 0 : i32
    %dma_wait3A_225 = tpu.memref_slice %arg4[%dma_wait3A_211, %dma_wait3A_223, %dma_wait3A_224] : memref<4x128x128xf32, #tpu.memory_space<vmem>> -> memref<1x128x128xf32, #tpu.memory_space<vmem>>
    %dma_wait3A_226 = tpu.memref_squeeze %dma_wait3A_225 : memref<1x128x128xf32, #tpu.memory_space<vmem>> -> memref<128x128xf32, #tpu.memory_space<vmem>>
    tpu.wait_dma2 semaphore(%dma_wait3A_220 : memref<!tpu.dma_semaphore, #tpu.memory_space<semaphore_mem>>) src(%dma_wait3A_226 : memref<128x128xf32, #tpu.memory_space<vmem>>) dst(%dma_wait3A_222 : memref<128x128xf32, #tpu.memory_space<hbm>>)
    %dma_wait3A_227 = arith.constant 1 : i32
    %dma_wait3A_228 = arith.constant 1 : i32
    %dma_wait3A_229 = arith.constant 0 : i32
    %dma_wait3A_230 = arith.constant 0 : i32
    %dma_wait3A_231 = tpu.memref_slice %arg4[%dma_wait3A_227, %dma_wait3A_229, %dma_wait3A_230] : memref<4x128x128xf32, #tpu.memory_space<vmem>> -> memref<1x128x128xf32, #tpu.memory_space<vmem>>
    %dma_wait3A_232 = tpu.memref_squeeze %dma_wait3A_231 : memref<1x128x128xf32, #tpu.memory_space<vmem>> -> memref<128x128xf32, #tpu.memory_space<vmem>>
    %dma_wait3A_233 = arith.constant 0 : i32
    %dma_wait3A_234 = tpu.memref_slice %arg3[%add3A_126, %dma_wait3A_233] : memref<16384x128xf32, #tpu.memory_space<hbm>> -> memref<128x128xf32, #tpu.memory_space<hbm>>
    %dma_wait3A_235 = tpu.memref_slice %arg6[%dma_wait3A_228] : memref<4x!tpu.dma_semaphore, #tpu.memory_space<semaphore_mem>> -> memref<1x!tpu.dma_semaphore, #tpu.memory_space<semaphore_mem>>
    %dma_wait3A_236 = tpu.memref_squeeze %dma_wait3A_235 : memref<1x!tpu.dma_semaphore, #tpu.memory_space<semaphore_mem>> -> memref<!tpu.dma_semaphore, #tpu.memory_space<semaphore_mem>>
    %dma_wait3A_237 = arith.constant 0 : i32
    %dma_wait3A_238 = tpu.memref_slice %arg3[%add3A_126, %dma_wait3A_237] : memref<16384x128xf32, #tpu.memory_space<hbm>> -> memref<128x128xf32, #tpu.memory_space<hbm>>
    %dma_wait3A_239 = arith.constant 0 : i32
    %dma_wait3A_240 = arith.constant 0 : i32
    %dma_wait3A_241 = tpu.memref_slice %arg4[%dma_wait3A_227, %dma_wait3A_239, %dma_wait3A_240] : memref<4x128x128xf32, #tpu.memory_space<vmem>> -> memref<1x128x128xf32, #tpu.memory_space<vmem>>
    %dma_wait3A_242 = tpu.memref_squeeze %dma_wait3A_241 : memref<1x128x128xf32, #tpu.memory_space<vmem>> -> memref<128x128xf32, #tpu.memory_space<vmem>>
    tpu.wait_dma2 semaphore(%dma_wait3A_236 : memref<!tpu.dma_semaphore, #tpu.memory_space<semaphore_mem>>) src(%dma_wait3A_242 : memref<128x128xf32, #tpu.memory_space<vmem>>) dst(%dma_wait3A_238 : memref<128x128xf32, #tpu.memory_space<hbm>>)
    %dma_wait3A_243 = arith.constant 2 : i32
    %dma_wait3A_244 = arith.constant 2 : i32
    %dma_wait3A_245 = arith.constant 0 : i32
    %dma_wait3A_246 = arith.constant 0 : i32
    %dma_wait3A_247 = tpu.memref_slice %arg4[%dma_wait3A_243, %dma_wait3A_245, %dma_wait3A_246] : memref<4x128x128xf32, #tpu.memory_space<vmem>> -> memref<1x128x128xf32, #tpu.memory_space<vmem>>
    %dma_wait3A_248 = tpu.memref_squeeze %dma_wait3A_247 : memref<1x128x128xf32, #tpu.memory_space<vmem>> -> memref<128x128xf32, #tpu.memory_space<vmem>>
    %dma_wait3A_249 = arith.constant 0 : i32
    %dma_wait3A_250 = tpu.memref_slice %arg3[%add3A_160, %dma_wait3A_249] : memref<16384x128xf32, #tpu.memory_space<hbm>> -> memref<128x128xf32, #tpu.memory_space<hbm>>
    %dma_wait3A_251 = tpu.memref_slice %arg6[%dma_wait3A_244] : memref<4x!tpu.dma_semaphore, #tpu.memory_space<semaphore_mem>> -> memref<1x!tpu.dma_semaphore, #tpu.memory_space<semaphore_mem>>
    %dma_wait3A_252 = tpu.memref_squeeze %dma_wait3A_251 : memref<1x!tpu.dma_semaphore, #tpu.memory_space<semaphore_mem>> -> memref<!tpu.dma_semaphore, #tpu.memory_space<semaphore_mem>>
    %dma_wait3A_253 = arith.constant 0 : i32
    %dma_wait3A_254 = tpu.memref_slice %arg3[%add3A_160, %dma_wait3A_253] : memref<16384x128xf32, #tpu.memory_space<hbm>> -> memref<128x128xf32, #tpu.memory_space<hbm>>
    %dma_wait3A_255 = arith.constant 0 : i32
    %dma_wait3A_256 = arith.constant 0 : i32
    %dma_wait3A_257 = tpu.memref_slice %arg4[%dma_wait3A_243, %dma_wait3A_255, %dma_wait3A_256] : memref<4x128x128xf32, #tpu.memory_space<vmem>> -> memref<1x128x128xf32, #tpu.memory_space<vmem>>
    %dma_wait3A_258 = tpu.memref_squeeze %dma_wait3A_257 : memref<1x128x128xf32, #tpu.memory_space<vmem>> -> memref<128x128xf32, #tpu.memory_space<vmem>>
    tpu.wait_dma2 semaphore(%dma_wait3A_252 : memref<!tpu.dma_semaphore, #tpu.memory_space<semaphore_mem>>) src(%dma_wait3A_258 : memref<128x128xf32, #tpu.memory_space<vmem>>) dst(%dma_wait3A_254 : memref<128x128xf32, #tpu.memory_space<hbm>>)
    %dma_wait3A_259 = arith.constant 3 : i32
    %dma_wait3A_260 = arith.constant 3 : i32
    %dma_wait3A_261 = arith.constant 0 : i32
    %dma_wait3A_262 = arith.constant 0 : i32
    %dma_wait3A_263 = tpu.memref_slice %arg4[%dma_wait3A_259, %dma_wait3A_261, %dma_wait3A_262] : memref<4x128x128xf32, #tpu.memory_space<vmem>> -> memref<1x128x128xf32, #tpu.memory_space<vmem>>
    %dma_wait3A_264 = tpu.memref_squeeze %dma_wait3A_263 : memref<1x128x128xf32, #tpu.memory_space<vmem>> -> memref<128x128xf32, #tpu.memory_space<vmem>>
    %dma_wait3A_265 = arith.constant 0 : i32
    %dma_wait3A_266 = tpu.memref_slice %arg3[%add3A_194, %dma_wait3A_265] : memref<16384x128xf32, #tpu.memory_space<hbm>> -> memref<128x128xf32, #tpu.memory_space<hbm>>
    %dma_wait3A_267 = tpu.memref_slice %arg6[%dma_wait3A_260] : memref<4x!tpu.dma_semaphore, #tpu.memory_space<semaphore_mem>> -> memref<1x!tpu.dma_semaphore, #tpu.memory_space<semaphore_mem>>
    %dma_wait3A_268 = tpu.memref_squeeze %dma_wait3A_267 : memref<1x!tpu.dma_semaphore, #tpu.memory_space<semaphore_mem>> -> memref<!tpu.dma_semaphore, #tpu.memory_space<semaphore_mem>>
    %dma_wait3A_269 = arith.constant 0 : i32
    %dma_wait3A_270 = tpu.memref_slice %arg3[%add3A_194, %dma_wait3A_269] : memref<16384x128xf32, #tpu.memory_space<hbm>> -> memref<128x128xf32, #tpu.memory_space<hbm>>
    %dma_wait3A_271 = arith.constant 0 : i32
    %dma_wait3A_272 = arith.constant 0 : i32
    %dma_wait3A_273 = tpu.memref_slice %arg4[%dma_wait3A_259, %dma_wait3A_271, %dma_wait3A_272] : memref<4x128x128xf32, #tpu.memory_space<vmem>> -> memref<1x128x128xf32, #tpu.memory_space<vmem>>
    %dma_wait3A_274 = tpu.memref_squeeze %dma_wait3A_273 : memref<1x128x128xf32, #tpu.memory_space<vmem>> -> memref<128x128xf32, #tpu.memory_space<vmem>>
    tpu.wait_dma2 semaphore(%dma_wait3A_268 : memref<!tpu.dma_semaphore, #tpu.memory_space<semaphore_mem>>) src(%dma_wait3A_274 : memref<128x128xf32, #tpu.memory_space<vmem>>) dst(%dma_wait3A_270 : memref<128x128xf32, #tpu.memory_space<hbm>>)
    return
  }
}

</mosaic_0001>

<sc_bundles>
// kernel: kernel.3.cloned.1.call-start
scs
__scs_entry_jumppad:
0x0: {  	(pc) =	sbr.rel $0x88, $3  }
0x1: {  	(tag) =	ssettag $0x0;
	lr =	simm.s32 $0x1  }
0x2: {  	[smem:$0x3FA0] =	sst lr;
	_ =	strace $0xD0000000  }
0x3: {  	_ = 	snop  }
0x4: {  	_ = 	snop  }
0x5: {  	_ = 	snop  }
0x6: {  	_ = 	snop  }
0x7: {  	_ = 	snop  }
__scs_overlays_trampoline_lowered:
0x8: {  	[smem:$0x3FAF] =	sst s0  }
0x9: {  	[smem:$0x3FB0] =	sst s1  }
0xa: {  	[smem:$0x3FB1] =	sst s2  }
0xb: {  	[smem:$0x3FB2] =	sst s3  }
0xc: {  	[smem:$0x3FB3] =	sst s4  }
0xd: {  	[smem:$0x3FB4] =	sst s5  }
0xe: {  	[smem:$0x3FB5] =	sst s6  }
0xf: {  	[smem:$0x3FB6] =	sst s7  }
0x10: {  	[smem:$0x3FB7] =	sst s8  }
0x11: {  	[smem:$0x3FB8] =	sst s9;
	s0 =	simm.s32 @!p0 $0x0  }
0x12: {  	s1 =	sld [smem:$0x3F9E];
	s0 =	simm.s32 @p0 $0x1  }
0x13: {  	[smem:$0x3FB9] =	sst s0;
	s0 =	simm.s32 @!p1 $0x0  }
0x14: {  	s2 =	sld [smem:$0x3F9D];
	s0 =	simm.s32 @p1 $0x1  }
0x15: {  	[smem:$0x3FBA] =	sst s0;
	s0 =	simm.s32 @!p2 $0x0  }
0x16: {  	s3 =	sld [smem:$0x3FDB];
	s0 =	simm.s32 @p2 $0x1  }
0x17: {  	s4 =	simm.s32 $0x1BF5;
	[smem:$0x3FBC] =	sst s0  }
0x18: {  	s0 =	sld [smem:$0x3F9F];
	_ =	swait.ge [sflag:s4], $0x0  }
0x19: {  	s7 =	sld [smem:$0x3FA0]  }
0x1a: {  	s8 =	sadd.s32 $0xFFFFE003, lr  }
0x1b: {  	s9 =	sadd.s32 $0xFFFFFEF7, lr;
	s5 =	simm.s32 $0xFFFFFFFF;
	p2 =	slt.u32 s8, $0xFFFFF086  }
0x1c: {  	p1 =	slt.u32 s9, $0xF7A;
	s5 =	simm.s32 @!p2 $0x0  }
0x1d: {  	s5 =	simm.s32 @p1 $0x1;
	p0 =	seq.s32 s7, s2  }
0x1e: {  	s7 =	smul.u32 @!p0 $0xF7A, s2;
	p2 =	seq.s32 @!p0 s5, $0x0  }
0x1f: {  	s9 =	smul.u32 $0xF7A, s1;
	s8 =	simm.s32 @!p0 $0x1BF5;
	p2 =	por !p2, p0  }
0x20: {  	[sflag:s8] =	ssyncset.s32 @!p0 $0xFFFFF086;
	s6 =	sadd.s32 @!p0 s3, s7;
	s7 =	simm.s32 @!p0 $0x108  }
0x21: {  	s3 =	sadd.s32 s3, s9;
	s6 =	sadd.s32 @!p0 $0x88, s6;
	s7 =	simm.s32 @p2 $0x1082  }
0x22: {  	[simem:s7], [sflag:s8] =	dma.local @!p0 [hbm:s6], $0xF7A  }
0x23: {  	s9 =	sor.u32 $0xD0000000, s2;
	s6 =	simm.s32 $0x108;
	_ =	swait.ge @!p0 [sflag:s8], $0x0  }
0x24: {  	s3 =	sadd.s32 $0x88, s3;
	s6 =	simm.s32 @!p1 $0x1082;
	[sflag:s4] =	ssyncset.s32 $0xFFFFF086  }
0x25: {  	[simem:s6], [sflag:s4] =	dma.local [hbm:s3], $0xF7A  }
0x26: {  	[smem:$0x3FA0] =	sst s1;
	(tag) =	ssettag s2;
	_ =	strace s9  }
0x27: {  	s1 =	sld [smem:$0x3FB0]  }
0x28: {  	s2 =	sld [smem:$0x3FB1]  }
0x29: {  	s4 =	sld [smem:$0x3FB3]  }
0x2a: {  	p0 =	seq.s32 s5, $0x0;
	s5 =	sld [smem:$0x3FB4]  }
0x2b: {  	s6 =	sld [smem:$0x3FB5]  }
0x2c: {  	s7 =	sld [smem:$0x3FB6]  }
0x2d: {  	s3 =	simm.s32 $0x108;
	s8 =	sld [smem:$0x3FB7]  }
0x2e: {  	s3 =	simm.s32 @!p0 $0x1082;
	s9 =	sld [smem:$0x3FB8]  }
0x2f: {  	lr =	sadd.s32 s0, s3;
	s0 =	sld [smem:$0x3FAF]  }
0x30: {  	s3 =	sld [smem:$0x3FB2]  }
0x31: {  	[smem:$0x3FBB] =	sst s10  }
0x32: {  	s10 =	sld [smem:$0x3FB9];
	_ =	sdelay $0x3  }
0x33: {  	p0 =	seq.s32 s10, $0x1;
	s10 =	sld [smem:$0x3FBB];
	_ =	sdelay $0x3  }
0x34: {  	[smem:$0x3FBB] =	sst s10  }
0x35: {  	s10 =	sld [smem:$0x3FBA];
	_ =	sdelay $0x3  }
0x36: {  	p1 =	seq.s32 s10, $0x1;
	s10 =	sld [smem:$0x3FBB];
	_ =	sdelay $0x3  }
0x37: {  	[smem:$0x3FBB] =	sst s10  }
0x38: {  	s10 =	sld [smem:$0x3FBC]  }
0x39: {  	_ = 	snop;
	(pc) =	sbr.ind lr, $3  }
0x3a: {  	_ = 	snop  }
0x3b: {  	_ = 	snop  }
0x3c: {  	p2 =	seq.s32 s10, $0x1;
	s10 =	sld [smem:$0x3FBB]  }
0x3d: {  	_ =	shalt  }
0x3e: {  	_ =	shalt  }
0x3f: {  	_ =	shalt  }
0x40: {  	_ =	shalt  }
0x41: {  	_ =	shalt  }
0x42: {  	_ =	shalt  }
0x43: {  	_ =	shalt  }
0x44: {  	_ =	shalt  }
0x45: {  	_ =	shalt  }
0x46: {  	_ =	shalt  }
0x47: {  	_ =	shalt  }
0x48: {  	_ =	shalt  }
0x49: {  	_ =	shalt  }
0x4a: {  	_ =	shalt  }
0x4b: {  	_ =	shalt  }
0x4c: {  	_ =	shalt  }
0x4d: {  	_ =	shalt  }
0x4e: {  	_ =	shalt  }
0x4f: {  	_ =	shalt  }
0x50: {  	_ =	shalt  }
0x51: {  	_ =	shalt  }
0x52: {  	_ =	shalt  }
0x53: {  	_ =	shalt  }
0x54: {  	_ =	shalt  }
0x55: {  	_ =	shalt  }
0x56: {  	_ =	shalt  }
0x57: {  	_ =	shalt  }
0x58: {  	_ =	shalt  }
0x59: {  	_ =	shalt  }
0x5a: {  	_ =	shalt  }
0x5b: {  	_ =	shalt  }
0x5c: {  	_ =	shalt  }
0x5d: {  	_ =	shalt  }
0x5e: {  	_ =	shalt  }
0x5f: {  	_ =	shalt  }
0x60: {  	_ =	shalt  }
0x61: {  	_ =	shalt  }
0x62: {  	_ =	shalt  }
0x63: {  	_ =	shalt  }
0x64: {  	_ =	shalt  }
0x65: {  	_ =	shalt  }
0x66: {  	_ =	shalt  }
0x67: {  	_ =	shalt  }
0x68: {  	_ =	shalt  }
0x69: {  	_ =	shalt  }
0x6a: {  	_ =	shalt  }
0x6b: {  	_ =	shalt  }
0x6c: {  	_ =	shalt  }
0x6d: {  	_ =	shalt  }
0x6e: {  	_ =	shalt  }
0x6f: {  	_ =	shalt  }
0x70: {  	_ =	shalt  }
0x71: {  	_ =	shalt  }
0x72: {  	_ =	shalt  }
0x73: {  	_ =	shalt  }
0x74: {  	_ =	shalt  }
0x75: {  	_ =	shalt  }
0x76: {  	_ =	shalt  }
0x77: {  	_ =	shalt  }
0x78: {  	_ =	shalt  }
0x79: {  	_ =	shalt  }
0x7a: {  	_ =	shalt  }
0x7b: {  	_ =	shalt  }
0x7c: {  	_ =	shalt  }
0x7d: {  	_ =	shalt  }
0x7e: {  	_ =	shalt  }
0x7f: {  	_ =	shalt  }
0x80: {  	_ =	shalt  }
0x81: {  	_ =	shalt  }
0x82: {  	_ =	shalt  }
0x83: {  	_ =	shalt  }
0x84: {  	_ =	shalt  }
0x85: {  	_ =	shalt  }
0x86: {  	_ =	shalt  }
0x87: {  	_ =	shalt  }
.Lfunc_end0:
.L_simem_size_0:
called_computation_lowered:
.L_overlay_start_0:
0x88: {  	s2 =	sld [smem:$0x3FD9]  }
0x89: {  	s3 =	sld [smem:$0x3FFE];
	_ =	sdelay $0x1  }
0x8a: {  	s1 =	srdreg.scid  }
0x8b: {  	s0 =	sand.u32 $0x1, s1  }
0x8c: {  	s18 =	sshll.u32 s0, $0xA;
	s2 =	sadd.s32 s3, s2  }
0x8d: {  	s2 =	sadd.s32 s2, s18  }
0x8e: {  	[smem:$0x3FC7] =	sst s2  }
0x8f: {  	_ = 	snop  }
0x90: {  	s2 =	sld [smem:$0x3FC9]  }
0x91: {  	s19 =	sld [smem:$0x3FD0];
	(tm) =	ssettm $0x1  }
0x92: {  	s4 =	sld [smem:$0x3FFB];
	_ =	sdelay $0x3  }
0x93: {  	_ =	strace s4  }
0x94: {  	s4 =	sld [smem:$0x3FFC];
	_ =	sdelay $0x3  }
0x95: {  	_ =	strace s4  }
0x96: {  	s4 =	sld [smem:$0x3FFD];
	_ =	sdelay $0x3  }
0x97: {  	_ =	strace s4  }
0x98: {  	_ =	strace $0x8FFFFFFF  }
0x99: {  	s20 =	sld [smem:$0x3FDB];
	_ =	sdelay $0x1  }
0x9a: {  	s5 =	simm.s32 $_scs_section_size  }
0x9b: {  	s6 =	simm.s32 $_size__tile_overlayer_lowered;
	s7 =	simm.s32 $_tile_overlayer_lowered  }
0x9c: {  	s23 =	simm.s32 $0x1BFF;
	s22 =	sshll.u32 s7, $0x1;
	s4 =	sadd.s32 s5, s20  }
0x9d: {  	s8 =	simm.s32 $0x0;
	s21 =	sshll.u32 s6, $0x1;
	s6 =	sadd.s32 s22, s4  }
0x9e: {  	[timem:s8], [sflag:s23] =	dma.local [hbm:s6], s21  }
0x9f: {  	_ =	swait.ge [sflag:s23], s21  }
0xa0: {  	s5 =	ssub.s32 $0x0, s21;
	[sflag:s23] =	ssyncset.done $0x0  }
0xa1: {  	[sflag:s23] =	ssyncadd.s32 s5;
	_ =	sdelay $0x1  }
0xa2: {  	s24 =	simm.s32 $0x1B8B  }
0xa3: {  	_ =	swait.ge [sflag:s24], $0x1  }
0xa4: {  	[sflag:s24] =	ssyncset.done $0x0  }
0xa5: {  	s25 =	simm.s32 $0x1B8E;
	[sflag:s24] =	ssyncadd.s32 $0xFFFFFFFF  }
0xa6: {  	s26 =	simm.s32 $execute0_lowered;
	[smem:$0x3FD2] =	sst s25  }
0xa7: {  	s5 =	sshll.u32 s26, $0x1;
	_ =	strace $0x80000046;
	[dreg:$0x1] =	wrdreg $0xFFFFFFFF  }
0xa8: {  	s28 =	simm.s32 $_size_execute0_lowered;
	s4 =	sadd.s32 s4, s5;
	[dreg:$0x0] =	wrdreg $0x0  }
0xa9: {  	s5 =	sshll.u32 s28, $0x1;
	[dreg:$0x2] =	wrdreg s4  }
0xaa: {  	[dreg:$0x3] =	wrdreg s5  }
0xab: {  	[dreg:$0x4] =	wrdreg $0xC0  }
0xac: {  	_ =	task [dreg:s8], $0x5FFFF  }
0xad: {  	[dreg:$0x1] =	wrdreg $0xFFFFFFFF  }
0xae: {  	[dreg:$0x0] =	wrdreg $0x60  }
0xaf: {  	[dreg:$0x2] =	wrdreg s2  }
0xb0: {  	[dreg:$0x3] =	wrdreg s19  }
0xb1: {  	[dreg:$0x4] =	wrdreg $0x9  }
0xb2: {  	_ =	task.clear_ibuf [dreg:s8], $0x5FFFF;
	_ =	strace $0x90000046  }
0xb3: {  	s29 =	simm.s32 $0x9;
	_ =	strace $0x80000048  }
0xb4: {  	_ =	swait.ge [sflag:s29], $0x1  }
0xb5: {  	[sflag:s29] =	ssyncadd.s32 $0xFFFFFFFF  }
0xb6: {  	_ =	strace $0x90000048  }
0xb7: {  	_ =	sfence  }
0xb8: {  	s30 =	sld [smem:$0x0];
	_ =	sdelay $0x2  }
0xb9: {  	s31 =	sshll.u32 s1, $0xD;
	s1 =	sshrl.u32 s1, $0x2  }
0xba: {  	s3 =	sand.u32 $0x4000, s31;
	s1 =	sadd.s32 s1, s30  }
0xbb: {  	s0 =	sor.u32 s3, s0;
	s1 =	sshll.u32 s1, $0x11  }
0xbc: {  	s0 =	sor.u32 s1, s0  }
0xbd: {  	s0 =	sadd.s32 $0x8F2B, s0  }
0xbe: {  	[sflag:s0] =	ssyncadd.remote.s32 $0x1  }
0xbf: {  	_ =	sfence.sel $0xFFFF  }
0xc0: {  	[dreg:$0x0] =	wrdreg $0xFFFFFFFF;
	(pc) =	sbr.abs _section_cstart, $3  }
0xc1: {  	[dreg:$0x1] =	wrdreg $0xFFFFFFFF  }
0xc2: {  	_ =	task.clear_ibuf [dreg:s8], $0x2FFFF;
	_ =	strace $0x9FFFFFFF  }
0xc3: {  	(tm) =	ssettm $0x7FFFFFFF  }
tec
execute0_lowered:
.L_overlay_start_1:
0x0: {  	(tag) =	ssettag $0x1  }
0x1: {  	s8 =	rddreg [dreg:$0x0]  }
0x2: {  	s1 =	srdreg.scid;
	s0 =	stileid.u32  }
0x3: {  	s17 =	rddreg [dreg:$0x1];
	s20 =	sand.u32 $0x1, s1;
	s3 =	sshll.u32 s0, $0x1  }
0x4: {  	s2 =	simm.s32 $0x0;
	s1 =	rddreg [dreg:$0x2];
	s11 =	sor.u32 s20, s3  }
0x5: {  	[smem:$0x7FF] =	sst s2;
	s12 =	sshll.u32 s11, $0xD  }
0x6: {  	_ =	strace $0x80000047;
	s3 =	sadd.s32 s8, s12;
	s13 =	sor.u32 $0x800, s12  }
0x7: {  	[tilespmem:s2], [sflag:$0x1] =	stream.linear.gather [hbm4b:s3+s2], $0x4000, $0x38;
	[tilespmem:$0x10000] =	vst v63  }
0x8: {  	s5 =	simm.s32 $0x4000;
	s15 =	sor.u32 $0x1000, s12;
	s4 =	sadd.s32 s8, s13  }
0x9: {  	[tilespmem:s5], [sflag:$0x2] =	stream.linear.gather [hbm4b:s4+s2], $0x4000, $0x38;
	[tilespmem:$0x10000] =	vst v63  }
0xa: {  	s7 =	simm.s32 $0x8000;
	s18 =	sor.u32 $0x1800, s12;
	s6 =	sadd.s32 s8, s15  }
0xb: {  	[tilespmem:s7], [sflag:$0x3] =	stream.linear.gather [hbm4b:s6+s2], $0x4000, $0x38;
	[tilespmem:$0x10000] =	vst v63  }
0xc: {  	s9 =	simm.s32 $0xC000;
	s10 =	simm.s32 $0x1;
	s8 =	sadd.s32 s8, s18  }
0xd: {  	[tilespmem:s9], [sflag:$0x4] =	stream.linear.gather [hbm4b:s8+s2], $0x4000, $0x38;
	[tilespmem:$0x10000] =	vst v63  }
0xe: {  	_ =	swait.ge [sflag:s10], $0x4000  }
0xf: {  	[sflag:s10] =	ssyncset.done $0x0  }
0x10: {  	p0 =	sne.s32 s11, $0x0;
	[sflag:s10] =	ssyncadd.s32 $0xFFFFC000  }
0x11: {  	v0 =	vld @!p0 [tilespmem:$0x0];
	_ =	sdelay $0x2  }
0x12: {  	v1 =	vlaneseq.u32 @!p0  }
0x13: {  	vm0 =	veq.s32 @!p0 v1, $0x0  }
0x14: {  	v0 =	vsel @!p0 vm0, $0x40400000, v0  }
0x15: {  	s11 =	sadd.s32 s17, s12;
	s12 =	simm.s32 $0x2;
	[tilespmem:$0x0] =	vst @!p0 v0  }
0x16: {  	[hbm4b:s11+s2] =	stream.linear.scatter [tilespmem:s2], [sflag:$0x5], $0x4000, $0x38;
	[tilespmem:$0x10000] =	vst v63  }
0x17: {  	_ =	swait.ge [sflag:s12], $0x4000  }
0x18: {  	[sflag:s12] =	ssyncset.done $0x0  }
0x19: {  	s14 =	simm.s32 $0x3;
	s13 =	sadd.s32 s17, s13;
	[sflag:s12] =	ssyncadd.s32 $0xFFFFC000  }
0x1a: {  	[hbm4b:s13+s2] =	stream.linear.scatter [tilespmem:s5], [sflag:$0x6], $0x4000, $0x38;
	[tilespmem:$0x10000] =	vst v63  }
0x1b: {  	_ =	swait.ge [sflag:s14], $0x4000  }
0x1c: {  	[sflag:s14] =	ssyncset.done $0x0  }
0x1d: {  	s16 =	simm.s32 $0x4;
	s15 =	sadd.s32 s17, s15;
	[sflag:s14] =	ssyncadd.s32 $0xFFFFC000  }
0x1e: {  	[hbm4b:s15+s2] =	stream.linear.scatter [tilespmem:s7], [sflag:$0x7], $0x4000, $0x38;
	[tilespmem:$0x10000] =	vst v63  }
0x1f: {  	_ =	swait.ge [sflag:s16], $0x4000  }
0x20: {  	[sflag:s16] =	ssyncset.done $0x0  }
0x21: {  	s17 =	sadd.s32 s17, s18;
	s18 =	simm.s32 $0x5;
	[sflag:s16] =	ssyncadd.s32 $0xFFFFC000  }
0x22: {  	[hbm4b:s17+s2] =	stream.linear.scatter [tilespmem:s9], [sflag:$0x8], $0x4000, $0x38;
	[tilespmem:$0x10000] =	vst v63  }
0x23: {  	s21 =	ssub.s32 $0x2, s20;
	_ =	swait.ge [sflag:s18], $0x4000  }
0x24: {  	s22 =	sshrl.u32 s21, $0x1;
	[sflag:s18] =	ssyncset.done $0x0  }
0x25: {  	s19 =	simm.s32 $0x6;
	s21 =	ssub.s32 s21, s22;
	[sflag:s18] =	ssyncadd.s32 $0xFFFFC000  }
0x26: {  	s22 =	smax.u32 s21, $0x1;
	_ =	swait.ge [sflag:s19], $0x4000  }
0x27: {  	s22 =	sadd.s32 $0xFFFFFFFF, s22;
	[sflag:s19] =	ssyncset.done $0x0  }
0x28: {  	s20 =	simm.s32 $0x7;
	p1 =	sne.s32 s22, $0x0;
	[sflag:s19] =	ssyncadd.s32 $0xFFFFC000  }
.Ltmp0:
0x29: {  	_ =	swait.ge [sflag:s20], $0x4000;
	(pc) =	sbr.rel @!p1 .LBB2_2-.Ltmp0, $4  }
0x2a: {  	[sflag:s20] =	ssyncset.done $0x0  }
0x2b: {  	s21 =	simm.s32 $0x8;
	[sflag:s20] =	ssyncadd.s32 $0xFFFFC000  }
0x2c: {  	_ =	swait.ge [sflag:s21], $0x4000  }
0x2d: {  	[sflag:s21] =	ssyncset.done $0x0  }
.LBB2_1:
0x2e: {  	s22 =	sadd.s32 $0xFFFFFFFF, s22;
	[sflag:s21] =	ssyncadd.s32 $0xFFFFC000  }
0x2f: {  	[tilespmem:s2], [sflag:$0x1] =	stream.linear.gather [hbm4b:s3+s2], $0x4000, $0x38;
	[tilespmem:$0x10000] =	vst v63  }
0x30: {  	p1 =	sne.s32 s22, $0x0  }
0x31: {  	[tilespmem:s5], [sflag:$0x2] =	stream.linear.gather [hbm4b:s4+s2], $0x4000, $0x38;
	[tilespmem:$0x10000] =	vst v63  }
0x32: {  	_ = 	snop  }
0x33: {  	[tilespmem:s7], [sflag:$0x3] =	stream.linear.gather [hbm4b:s6+s2], $0x4000, $0x38;
	[tilespmem:$0x10000] =	vst v63  }
0x34: {  	_ = 	snop  }
0x35: {  	[tilespmem:s9], [sflag:$0x4] =	stream.linear.gather [hbm4b:s8+s2], $0x4000, $0x38;
	[tilespmem:$0x10000] =	vst v63  }
0x36: {  	_ =	swait.ge [sflag:s10], $0x4000  }
0x37: {  	[sflag:s10] =	ssyncset.done $0x0  }
0x38: {  	[sflag:s10] =	ssyncadd.s32 $0xFFFFC000  }
0x39: {  	v0 =	vld @!p0 [tilespmem:$0x0];
	_ =	sdelay $0x4  }
0x3a: {  	v0 =	vsel @!p0 vm0, $0x40400000, v0  }
0x3b: {  	[tilespmem:$0x0] =	vst @!p0 v0  }
0x3c: {  	[hbm4b:s11+s2] =	stream.linear.scatter [tilespmem:s2], [sflag:$0x5], $0x4000, $0x38;
	[tilespmem:$0x10000] =	vst v63  }
0x3d: {  	_ =	swait.ge [sflag:s12], $0x4000  }
0x3e: {  	[sflag:s12] =	ssyncset.done $0x0  }
0x3f: {  	[sflag:s12] =	ssyncadd.s32 $0xFFFFC000  }
0x40: {  	[hbm4b:s13+s2] =	stream.linear.scatter [tilespmem:s5], [sflag:$0x6], $0x4000, $0x38;
	[tilespmem:$0x10000] =	vst v63  }
0x41: {  	_ =	swait.ge [sflag:s14], $0x4000  }
0x42: {  	[sflag:s14] =	ssyncset.done $0x0  }
0x43: {  	[sflag:s14] =	ssyncadd.s32 $0xFFFFC000  }
0x44: {  	[hbm4b:s15+s2] =	stream.linear.scatter [tilespmem:s7], [sflag:$0x7], $0x4000, $0x38;
	[tilespmem:$0x10000] =	vst v63  }
0x45: {  	_ =	swait.ge [sflag:s16], $0x4000  }
0x46: {  	[sflag:s16] =	ssyncset.done $0x0  }
0x47: {  	[sflag:s16] =	ssyncadd.s32 $0xFFFFC000  }
0x48: {  	[hbm4b:s17+s2] =	stream.linear.scatter [tilespmem:s9], [sflag:$0x8], $0x4000, $0x38;
	[tilespmem:$0x10000] =	vst v63  }
0x49: {  	_ =	swait.ge [sflag:s18], $0x4000  }
0x4a: {  	[sflag:s18] =	ssyncset.done $0x0  }
0x4b: {  	[sflag:s18] =	ssyncadd.s32 $0xFFFFC000  }
0x4c: {  	_ =	swait.ge [sflag:s19], $0x4000  }
0x4d: {  	[sflag:s19] =	ssyncset.done $0x0  }
0x4e: {  	[sflag:s19] =	ssyncadd.s32 $0xFFFFC000  }
.Ltmp1:
0x4f: {  	_ =	swait.ge [sflag:s20], $0x4000;
	(pc) =	sbr.rel @p1 .LBB2_1-.Ltmp1, $4  }
0x50: {  	[sflag:s20] =	ssyncset.done $0x0  }
0x51: {  	[sflag:s20] =	ssyncadd.s32 $0xFFFFC000  }
0x52: {  	_ =	swait.ge [sflag:s21], $0x4000  }
0x53: {  	[sflag:s21] =	ssyncset.done $0x0  }
.LBB2_2:
0x54: {  	[sflag:s21] =	ssyncadd.s32 $0xFFFFC000  }
0x55: {  	_ =	sfence.sel $0x180000  }
0x56: {  	[bflag:$0x0] =	sbarrier.arrive $0xFFFF  }
0x57: {  	p0 =	sne.s32 s0, $0x0;
	_ =	strace $0x90000047  }
0x58: {  	s0 =	sadd.s32 @!p0 $0x100000, s1;
	[bflag:$0x2] =	sbarrier.arrive $0xFFFF  }
0x59: {  	[sflag:s0] =	ssyncadd.tile.s32 @!p0 $0x1;
	_ =	shalt  }
.Lfunc_end2:
_tile_overlayer_lowered:
.L_overlay_start_2:
0x5a: {  	(tag) =	ssettag $0x2  }
0x5b: {  	s0 =	rddreg [dreg:$0x0];
	s2 =	stileid.u32  }
0x5c: {  	s1 =	rddreg [dreg:$0x1];
	p0 =	sne.s32 s2, $0x0  }
0x5d: {  	s3 =	rddreg [dreg:$0x2];
	[bflag:$0x3] =	sbarrier.arrive $0xFFFF;
	s2 =	simm.s32 @!p0 $0x1C09  }
0x5e: {  	[timem:s3], [sflag:s2] =	dma.local @!p0 [hbm:s0], s1  }
0x5f: {  	s0 =	simm.s32 @!p0 $0x9  }
0x60: {  	_ =	swait.ge @!p0 [sflag:s0], s1  }
0x61: {  	s1 =	ssub.s32 @!p0 $0x0, s1;
	[sflag:s0] =	ssyncset.done @!p0 $0x0  }
0x62: {  	[sflag:s0] =	ssyncadd.s32 @!p0 s1  }
0x63: {  	[bflag:$0x3] =	sbarrier.arrive $0xFFFF  }
0x64: {  	_ =	shalt  }

</sc_bundles>
